<compile_context>
chip_gen: v7x
topology: tpu7x:2x2x1
jax: 0.10.2.dev20260603
libtpu: 0.0.44.dev20260713+nightly
codegen_flags: <defaults>
</compile_context>

<pallas_src>
import jax
import jax.numpy as jnp
from jax.experimental import pallas as pl
from jax.experimental.pallas import tpu as pltpu

_LAMBDA_COORD = 5.0
_LAMBDA_NOOBJ = 0.5
_C = 80
_S = 4096
_B = 32
_A = 3


def _body(pred_ref, targ_ref, out_ref):
    f32 = jnp.float32
    p = pred_ref[0]
    t2 = targ_ref[0, 0].reshape(_S, 85)
    t = jnp.swapaxes(t2, 0, 1)

    p0 = p[0:1, :]
    p1 = p[1:2, :]
    p2 = p[2:3, :]
    p3 = p[3:4, :]
    z = p[4:5, :]
    cs = p[5:, :]

    t0 = t[0:1, :]
    t1 = t[1:2, :]
    t2r = t[2:3, :]
    t3 = t[3:4, :]
    t4 = t[4:5, :]
    tc = t[5:, :]

    o = (t4 == 1.0).astype(f32)
    nb = (t4 == 0.0).astype(f32)

    sx = 1.0 / (1.0 + jnp.exp(-p0))
    sy = 1.0 / (1.0 + jnp.exp(-p1))
    dx = sx - t0
    dy = sy - t1
    dw = p2 - t2r
    dh = p3 - t3
    loc_row = o * (dx * dx + dy * dy + dw * dw + dh * dh)

    g = jnp.maximum(z, 0.0) + jnp.log(1.0 + jnp.exp(-jnp.abs(z)))
    conf_row = o * (g - z) + _LAMBDA_NOOBJ * (nb * g)

    mx = jnp.max(cs, axis=0, keepdims=True)
    lse = mx + jnp.log(jnp.sum(jnp.exp(cs - mx), axis=0, keepdims=True))

    maxv = jnp.max(tc, axis=0, keepdims=True)
    iota_c = jax.lax.broadcasted_iota(jnp.int32, tc.shape, 0)
    cand = jnp.where(tc == maxv, iota_c, _C)
    idxm = jnp.min(cand, axis=0, keepdims=True)
    picked = jnp.sum(jnp.where(cand == idxm, cs, 0.0), axis=0,
                     keepdims=True)
    cls_row = o * (lse - picked)

    total_row = _LAMBDA_COORD * loc_row + conf_row + cls_row
    partial = jnp.sum(total_row, axis=1, keepdims=True) * (1.0 / _B)

    @pl.when(jnp.logical_and(pl.program_id(0) == 0, pl.program_id(1) == 0))
    def _():
        out_ref[...] = jnp.zeros_like(out_ref)

    out_ref[...] += partial


def kernel(predictions, targets):
    pred_r = predictions.reshape(_B * _A, 85, _S)
    out = pl.pallas_call(
        _body,
        grid=(_B, _A),
        in_specs=[
            pl.BlockSpec((1, 85, _S), lambda b, a: (b * _A + a, 0, 0)),
            pl.BlockSpec((1, 1, 64, 64, 85), lambda b, a: (b, a, 0, 0, 0)),
        ],
        out_specs=pl.BlockSpec((1, 1), lambda b, a: (0, 0)),
        out_shape=jax.ShapeDtypeStruct((1, 1), jnp.float32),
        compiler_params=pltpu.CompilerParams(
            dimension_semantics=("arbitrary", "arbitrary")),
    )(pred_r, targets)
    return out[0, 0]

# --- scband reference (transcript-rebuilt; emitter-appended) ---
"""Pipeline reference for scband-yololoss-16183436772138 (READ-ONLY COPY).

The authoritative reference and input builder live on the scoring server;
editing this copy changes nothing except your own understanding.
"""

import jax, jax.numpy as jnp
import numpy as np

NUM_CLASSES = 80
ANCHORS = [[10, 13], [16, 30], [33, 23]]
LAMBDA_COORD = 5.0
LAMBDA_NOOBJ = 0.5


def setup_inputs(seed: int = 0) -> dict:
    key = jax.random.key(seed)
    k1, k2 = jax.random.split(key)
    predictions = jax.random.normal(k1, (32, 255, 64, 64), dtype=jnp.float32)
    # targets carry {0,1} entries: tx,ty,tw,th in [0,1], obj flag in {0,1}, one-hot-ish class slots
    targets = jax.random.randint(k2, (32, 3, 64, 64, 85), 0, 2).astype(jnp.float32)
    return {"predictions": predictions, "targets": targets}


def reference(predictions, targets):
    B, _, H, W = predictions.shape
    A = len(ANCHORS)
    C = NUM_CLASSES
    p = predictions.reshape(B, A, 5 + C, H, W)
    p = jnp.transpose(p, (0, 1, 3, 4, 2))  # [B, A, H, W, 5+C]
    tx_pred = jax.nn.sigmoid(p[..., 0])
    ty_pred = jax.nn.sigmoid(p[..., 1])
    tw_pred = p[..., 2]
    th_pred = p[..., 3]
    obj_score = p[..., 4]
    class_scores = p[..., 5:]

    target_tx = targets[..., 0]
    target_ty = targets[..., 1]
    target_tw = targets[..., 2]
    target_th = targets[..., 3]
    target_obj = targets[..., 4]
    target_class = targets[..., 5:]

    obj_m = (target_obj == 1.0).astype(jnp.float32)
    noobj_m = (target_obj == 0.0).astype(jnp.float32)

    # masked sum-MSE (equivalent to torch boolean-index + MSELoss(reduction='sum'))
    loss_x = jnp.sum(obj_m * (tx_pred - target_tx) ** 2)
    loss_y = jnp.sum(obj_m * (ty_pred - target_ty) ** 2)
    loss_w = jnp.sum(obj_m * (tw_pred - target_tw) ** 2)
    loss_h = jnp.sum(obj_m * (th_pred - target_th) ** 2)
    loc_loss = (loss_x + loss_y + loss_w + loss_h) * LAMBDA_COORD

    # BCEWithLogits, stable form: logaddexp(0, z) - z*y
    bce = jnp.logaddexp(0.0, obj_score) - obj_score * target_obj
    conf_loss_obj = jnp.sum(obj_m * bce)
    conf_loss_noobj = jnp.sum(noobj_m * bce) * LAMBDA_NOOBJ
    conf_loss = conf_loss_obj + conf_loss_noobj

    # CrossEntropy with argmax(target one-hot) as label, sum over obj cells
    target_idx = jnp.argmax(target_class, axis=-1)
    lse = jax.nn.logsumexp(class_scores, axis=-1)
    picked = jnp.take_along_axis(class_scores, target_idx[..., None], axis=-1)[..., 0]
    class_loss = jnp.sum(obj_m * (lse - picked))

    total_loss = (loc_loss + conf_loss + class_loss) / B
    return total_loss

if __name__ == "__main__":
    import jax
    _d = setup_inputs()
    print(jax.jit(kernel)(*tuple(_d.values())))

</pallas_src>

<mosaic_0001>
module attributes {stable_mosaic.version = 14 : i64} {
  func.func @_body(%arg0: i32, %arg1: i32, %arg2: memref<1x85x4096xf32, #tpu.memory_space<vmem>>, %arg3: memref<1x1x64x64x85xf32, #tpu.memory_space<vmem>>, %arg4: memref<1x1xf32, #tpu.memory_space<vmem>>) attributes {dimension_semantics = [#tpu.dimension_semantics<arbitrary>, #tpu.dimension_semantics<arbitrary>], iteration_bounds = array<i64: 32, 3>, scalar_prefetch = 0 : i64, scratch_operands = 0 : i64, tpu.core_type = #tpu.core_type<tc>, window_params = [{transform_indices = @transform_0, window_bounds = array<i64: 1, 85, 4096>}, {transform_indices = @transform_1, window_bounds = array<i64: 1, 1, 64, 64, 85>}, {pipeline_mode = #tpu.pipeline_mode<synchronous>, transform_indices = @transform_2, window_bounds = array<i64: 1, 1>}]} {
    %get3A = arith.constant 0 : index
    %get3A_0 = arith.constant 0 : index
    %get3A_1 = arith.constant 0 : index
    %get3A_2 = vector.load %arg2[%get3A, %get3A_0, %get3A_1] : memref<1x85x4096xf32, #tpu.memory_space<vmem>>, vector<1x85x4096xf32>
    %get3A_3 = vector.shape_cast %get3A_2 : vector<1x85x4096xf32> to vector<85x4096xf32>
    %get3A_4 = arith.constant 0 : index
    %get3A_5 = arith.constant 0 : index
    %get3A_6 = arith.constant 0 : index
    %get3A_7 = arith.constant 0 : index
    %get3A_8 = arith.constant 0 : index
    %get3A_9 = vector.load %arg3[%get3A_4, %get3A_5, %get3A_6, %get3A_7, %get3A_8] : memref<1x1x64x64x85xf32, #tpu.memory_space<vmem>>, vector<1x1x64x64x85xf32>
    %get3A_10 = vector.shape_cast %get3A_9 : vector<1x1x64x64x85xf32> to vector<64x64x85xf32>
    %reshape3A = vector.shape_cast %get3A_10 : vector<64x64x85xf32> to vector<4096x85xf32>
    %transpose3A = tpu.transpose %reshape3A, [1, 0] : vector<4096x85xf32> -> vector<85x4096xf32>
    %slice3A = vector.extract_strided_slice %get3A_3 {offsets = [0, 0], sizes = [1, 4096], strides = [1, 1]} : vector<85x4096xf32> to vector<1x4096xf32>
    %slice3A_11 = vector.extract_strided_slice %get3A_3 {offsets = [1, 0], sizes = [1, 4096], strides = [1, 1]} : vector<85x4096xf32> to vector<1x4096xf32>
    %slice3A_12 = vector.extract_strided_slice %get3A_3 {offsets = [2, 0], sizes = [1, 4096], strides = [1, 1]} : vector<85x4096xf32> to vector<1x4096xf32>
    %slice3A_13 = vector.extract_strided_slice %get3A_3 {offsets = [3, 0], sizes = [1, 4096], strides = [1, 1]} : vector<85x4096xf32> to vector<1x4096xf32>
    %slice3A_14 = vector.extract_strided_slice %get3A_3 {offsets = [4, 0], sizes = [1, 4096], strides = [1, 1]} : vector<85x4096xf32> to vector<1x4096xf32>
    %slice3A_15 = vector.extract_strided_slice %get3A_3 {offsets = [5, 0], sizes = [80, 4096], strides = [1, 1]} : vector<85x4096xf32> to vector<80x4096xf32>
    %slice3A_16 = vector.extract_strided_slice %transpose3A {offsets = [0, 0], sizes = [1, 4096], strides = [1, 1]} : vector<85x4096xf32> to vector<1x4096xf32>
    %slice3A_17 = vector.extract_strided_slice %transpose3A {offsets = [1, 0], sizes = [1, 4096], strides = [1, 1]} : vector<85x4096xf32> to vector<1x4096xf32>
    %slice3A_18 = vector.extract_strided_slice %transpose3A {offsets = [2, 0], sizes = [1, 4096], strides = [1, 1]} : vector<85x4096xf32> to vector<1x4096xf32>
    %slice3A_19 = vector.extract_strided_slice %transpose3A {offsets = [3, 0], sizes = [1, 4096], strides = [1, 1]} : vector<85x4096xf32> to vector<1x4096xf32>
    %slice3A_20 = vector.extract_strided_slice %transpose3A {offsets = [4, 0], sizes = [1, 4096], strides = [1, 1]} : vector<85x4096xf32> to vector<1x4096xf32>
    %slice3A_21 = vector.extract_strided_slice %transpose3A {offsets = [5, 0], sizes = [80, 4096], strides = [1, 1]} : vector<85x4096xf32> to vector<80x4096xf32>
    %eq3A = arith.constant 1.000000e+00 : f32
    %eq3A_22 = vector.broadcast %eq3A : f32 to vector<1x4096xf32>
    %eq3A_23 = arith.cmpf oeq, %slice3A_20, %eq3A_22 : vector<1x4096xf32>
    %convert_element_type3A = arith.extui %eq3A_23 : vector<1x4096xi1> to vector<1x4096xi32>
    %convert_element_type3A_24 = arith.sitofp %convert_element_type3A : vector<1x4096xi32> to vector<1x4096xf32>
    %eq3A_25 = arith.constant 0.000000e+00 : f32
    %eq3A_26 = vector.broadcast %eq3A_25 : f32 to vector<1x4096xf32>
    %eq3A_27 = arith.cmpf oeq, %slice3A_20, %eq3A_26 : vector<1x4096xf32>
    %convert_element_type3A_28 = arith.extui %eq3A_27 : vector<1x4096xi1> to vector<1x4096xi32>
    %convert_element_type3A_29 = arith.sitofp %convert_element_type3A_28 : vector<1x4096xi32> to vector<1x4096xf32>
    %neg3A = arith.constant 0.000000e+00 : f32
    %neg3A_30 = vector.broadcast %neg3A : f32 to vector<1x4096xf32>
    %neg3A_31 = arith.subf %neg3A_30, %slice3A : vector<1x4096xf32>
    %exp3A = math.exp %neg3A_31 : vector<1x4096xf32>
    %add3A = arith.constant 1.000000e+00 : f32
    %add3A_32 = vector.broadcast %add3A : f32 to vector<1x4096xf32>
    %add3A_33 = arith.addf %add3A_32, %exp3A : vector<1x4096xf32>
    %div3A = arith.constant 1.000000e+00 : f32
    %div3A_34 = vector.broadcast %div3A : f32 to vector<1x4096xf32>
    %div3A_35 = arith.divf %div3A_34, %add3A_33 : vector<1x4096xf32>
    %neg3A_36 = arith.constant 0.000000e+00 : f32
    %neg3A_37 = vector.broadcast %neg3A_36 : f32 to vector<1x4096xf32>
    %neg3A_38 = arith.subf %neg3A_37, %slice3A_11 : vector<1x4096xf32>
    %exp3A_39 = math.exp %neg3A_38 : vector<1x4096xf32>
    %add3A_40 = arith.constant 1.000000e+00 : f32
    %add3A_41 = vector.broadcast %add3A_40 : f32 to vector<1x4096xf32>
    %add3A_42 = arith.addf %add3A_41, %exp3A_39 : vector<1x4096xf32>
    %div3A_43 = arith.constant 1.000000e+00 : f32
    %div3A_44 = vector.broadcast %div3A_43 : f32 to vector<1x4096xf32>
    %div3A_45 = arith.divf %div3A_44, %add3A_42 : vector<1x4096xf32>
    %sub3A = arith.subf %div3A_35, %slice3A_16 : vector<1x4096xf32>
    %sub3A_46 = arith.subf %div3A_45, %slice3A_17 : vector<1x4096xf32>
    %sub3A_47 = arith.subf %slice3A_12, %slice3A_18 : vector<1x4096xf32>
    %sub3A_48 = arith.subf %slice3A_13, %slice3A_19 : vector<1x4096xf32>
    %mul3A = arith.mulf %sub3A, %sub3A : vector<1x4096xf32>
    %mul3A_49 = arith.mulf %sub3A_46, %sub3A_46 : vector<1x4096xf32>
    %add3A_50 = arith.addf %mul3A, %mul3A_49 : vector<1x4096xf32>
    %mul3A_51 = arith.mulf %sub3A_47, %sub3A_47 : vector<1x4096xf32>
    %add3A_52 = arith.addf %add3A_50, %mul3A_51 : vector<1x4096xf32>
    %mul3A_53 = arith.mulf %sub3A_48, %sub3A_48 : vector<1x4096xf32>
    %add3A_54 = arith.addf %add3A_52, %mul3A_53 : vector<1x4096xf32>
    %mul3A_55 = arith.mulf %convert_element_type3A_24, %add3A_54 : vector<1x4096xf32>
    %max3A = arith.constant 0.000000e+00 : f32
    %max3A_56 = vector.broadcast %max3A : f32 to vector<1x4096xf32>
    %max3A_57 = arith.maximumf %slice3A_14, %max3A_56 : vector<1x4096xf32>
    %abs3A = math.absf %slice3A_14 : vector<1x4096xf32>
    %neg3A_58 = arith.constant 0.000000e+00 : f32
    %neg3A_59 = vector.broadcast %neg3A_58 : f32 to vector<1x4096xf32>
    %neg3A_60 = arith.subf %neg3A_59, %abs3A : vector<1x4096xf32>
    %exp3A_61 = math.exp %neg3A_60 : vector<1x4096xf32>
    %add3A_62 = arith.constant 1.000000e+00 : f32
    %add3A_63 = vector.broadcast %add3A_62 : f32 to vector<1x4096xf32>
    %add3A_64 = arith.addf %add3A_63, %exp3A_61 : vector<1x4096xf32>
    %log3A = math.log %add3A_64 : vector<1x4096xf32>
    %add3A_65 = arith.addf %max3A_57, %log3A : vector<1x4096xf32>
    %sub3A_66 = arith.subf %add3A_65, %slice3A_14 : vector<1x4096xf32>
    %mul3A_67 = arith.mulf %convert_element_type3A_24, %sub3A_66 : vector<1x4096xf32>
    %mul3A_68 = arith.mulf %convert_element_type3A_29, %add3A_65 : vector<1x4096xf32>
    %mul3A_69 = arith.constant 5.000000e-01 : f32
    %mul3A_70 = vector.broadcast %mul3A_69 : f32 to vector<1x4096xf32>
    %mul3A_71 = arith.mulf %mul3A_70, %mul3A_68 : vector<1x4096xf32>
    %add3A_72 = arith.addf %mul3A_67, %mul3A_71 : vector<1x4096xf32>
    %reduce_max3A = arith.constant dense<0xFF800000> : vector<4096xf32>
    %reduce_max3A_73 = vector.multi_reduction <maximumf>, %slice3A_15, %reduce_max3A [0] : vector<80x4096xf32> to vector<4096xf32>
    %broadcast_in_dim3A = vector.shape_cast %reduce_max3A_73 : vector<4096xf32> to vector<1x4096xf32>
    %sub3A_74 = vector.broadcast %broadcast_in_dim3A : vector<1x4096xf32> to vector<80x4096xf32>
    %sub3A_75 = arith.subf %slice3A_15, %sub3A_74 : vector<80x4096xf32>
    %exp3A_76 = math.exp %sub3A_75 : vector<80x4096xf32>
    %reduce_sum3A = arith.constant dense<0.000000e+00> : vector<4096xf32>
    %reduce_sum3A_77 = vector.multi_reduction <add>, %exp3A_76, %reduce_sum3A [0] : vector<80x4096xf32> to vector<4096xf32>
    %broadcast_in_dim3A_78 = vector.shape_cast %reduce_sum3A_77 : vector<4096xf32> to vector<1x4096xf32>
    %log3A_79 = math.log %broadcast_in_dim3A_78 : vector<1x4096xf32>
    %add3A_80 = arith.addf %broadcast_in_dim3A, %log3A_79 : vector<1x4096xf32>
    %reduce_max3A_81 = arith.constant dense<0xFF800000> : vector<4096xf32>
    %reduce_max3A_82 = vector.multi_reduction <maximumf>, %slice3A_21, %reduce_max3A_81 [0] : vector<80x4096xf32> to vector<4096xf32>
    %broadcast_in_dim3A_83 = vector.shape_cast %reduce_max3A_82 : vector<4096xf32> to vector<1x4096xf32>
    %iota3A = tpu.iota {dimensions = array<i32: 0>} : vector<80x4096xi32>
    %eq3A_84 = vector.broadcast %broadcast_in_dim3A_83 : vector<1x4096xf32> to vector<80x4096xf32>
    %eq3A_85 = arith.cmpf oeq, %slice3A_21, %eq3A_84 : vector<80x4096xf32>
    %jit3A = arith.constant 80 : i32
    %broadcast_in_dim3A_86 = vector.broadcast %jit3A : i32 to vector<80x4096xi32>
    %select_n3A = arith.select %eq3A_85, %iota3A, %broadcast_in_dim3A_86 : vector<80x4096xi1>, vector<80x4096xi32>
    %reduce_min3A = arith.constant dense<2147483647> : vector<4096xi32>
    %reduce_min3A_87 = vector.multi_reduction <minsi>, %select_n3A, %reduce_min3A [0] : vector<80x4096xi32> to vector<4096xi32>
    %broadcast_in_dim3A_88 = vector.shape_cast %reduce_min3A_87 : vector<4096xi32> to vector<1x4096xi32>
    %eq3A_89 = vector.broadcast %broadcast_in_dim3A_88 : vector<1x4096xi32> to vector<80x4096xi32>
    %eq3A_90 = arith.cmpi eq, %select_n3A, %eq3A_89 : vector<80x4096xi32>
    %jit3A_91 = arith.constant 0.000000e+00 : f32
    %broadcast_in_dim3A_92 = vector.broadcast %jit3A_91 : f32 to vector<80x4096xf32>
    %select_n3A_93 = arith.select %eq3A_90, %slice3A_15, %broadcast_in_dim3A_92 : vector<80x4096xi1>, vector<80x4096xf32>
    %reduce_sum3A_94 = arith.constant dense<0.000000e+00> : vector<4096xf32>
    %reduce_sum3A_95 = vector.multi_reduction <add>, %select_n3A_93, %reduce_sum3A_94 [0] : vector<80x4096xf32> to vector<4096xf32>
    %broadcast_in_dim3A_96 = vector.shape_cast %reduce_sum3A_95 : vector<4096xf32> to vector<1x4096xf32>
    %sub3A_97 = arith.subf %add3A_80, %broadcast_in_dim3A_96 : vector<1x4096xf32>
    %mul3A_98 = arith.mulf %convert_element_type3A_24, %sub3A_97 : vector<1x4096xf32>
    %mul3A_99 = arith.constant 5.000000e+00 : f32
    %mul3A_100 = vector.broadcast %mul3A_99 : f32 to vector<1x4096xf32>
    %mul3A_101 = arith.mulf %mul3A_100, %mul3A_55 : vector<1x4096xf32>
    %add3A_102 = arith.addf %mul3A_101, %add3A_72 : vector<1x4096xf32>
    %add3A_103 = arith.addf %add3A_102, %mul3A_98 : vector<1x4096xf32>
    %reduce_sum3A_104 = arith.constant dense<0.000000e+00> : vector<1xf32>
    %reduce_sum3A_105 = vector.multi_reduction <add>, %add3A_103, %reduce_sum3A_104 [1] : vector<1x4096xf32> to vector<1xf32>
    %broadcast_in_dim3A_106 = vector.shape_cast %reduce_sum3A_105 : vector<1xf32> to vector<1x1xf32>
    %mul3A_107 = arith.constant 3.125000e-02 : f32
    %mul3A_108 = vector.broadcast %mul3A_107 : f32 to vector<1x1xf32>
    %mul3A_109 = arith.mulf %broadcast_in_dim3A_106, %mul3A_108 : vector<1x1xf32>
    %eq3A_110 = arith.constant 0 : i32
    %eq3A_111 = arith.cmpi eq, %arg0, %eq3A_110 : i32
    %eq3A_112 = arith.constant 0 : i32
    %eq3A_113 = arith.cmpi eq, %arg1, %eq3A_112 : i32
    %and3A = arith.andi %eq3A_111, %eq3A_113 : i1
    %convert_element_type3A_114 = arith.extui %and3A : i1 to i32
    %cond3A = arith.constant 0 : i32
    %cond3A_115 = arith.cmpi ne, %convert_element_type3A_114, %cond3A : i32
    scf.if %cond3A_115 {
      %broadcast_in_dim3A_122 = arith.constant 0.000000e+00 : f32
      %broadcast_in_dim3A_123 = vector.broadcast %broadcast_in_dim3A_122 : f32 to vector<1x1xf32>
      %swap3A_124 = arith.constant 0 : index
      %swap3A_125 = arith.constant 0 : index
      %swap3A_126 = vector.load %arg4[%swap3A_124, %swap3A_125] : memref<1x1xf32, #tpu.memory_space<vmem>>, vector<1x1xf32>
      tpu.vector_store %arg4[%swap3A_124, %swap3A_125], %broadcast_in_dim3A_123 {strides = array<i32>} : memref<1x1xf32, #tpu.memory_space<vmem>>, vector<1x1xf32>,
    } else {
    }
    %get3A_116 = arith.constant 0 : index
    %get3A_117 = arith.constant 0 : index
    %get3A_118 = vector.load %arg4[%get3A_116, %get3A_117] : memref<1x1xf32, #tpu.memory_space<vmem>>, vector<1x1xf32>
    %add3A_119 = arith.addf %get3A_118, %mul3A_109 : vector<1x1xf32>
    %swap3A = arith.constant 0 : index
    %swap3A_120 = arith.constant 0 : index
    %swap3A_121 = vector.load %arg4[%swap3A, %swap3A_120] : memref<1x1xf32, #tpu.memory_space<vmem>>, vector<1x1xf32>
    tpu.vector_store %arg4[%swap3A, %swap3A_120], %add3A_119 {strides = array<i32>} : memref<1x1xf32, #tpu.memory_space<vmem>>, vector<1x1xf32>,
    return
  }
  func.func @transform_0(%arg0: i32, %arg1: i32) -> (i32, i32, i32) {
    %mul3A = arith.constant 3 : i32
    %mul3A_0 = arith.muli %arg0, %mul3A : i32
    %add3A = arith.addi %mul3A_0, %arg1 : i32
    %c0_i32 = arith.constant 0 : i32
    %c0_i32_1 = arith.constant 0 : i32
    %c0_i32_2 = arith.constant 0 : i32
    return %add3A, %c0_i32, %c0_i32_1 : i32, i32, i32
  }
  func.func @transform_1(%arg0: i32, %arg1: i32) -> (i32, i32, i32, i32, i32) {
    %c0_i32 = arith.constant 0 : i32
    %c0_i32_0 = arith.constant 0 : i32
    %c0_i32_1 = arith.constant 0 : i32
    %c0_i32_2 = arith.constant 0 : i32
    return %arg0, %arg1, %c0_i32, %c0_i32_0, %c0_i32_1 : i32, i32, i32, i32, i32
  }
  func.func @transform_2(%arg0: i32, %arg1: i32) -> (i32, i32) {
    %c0_i32 = arith.constant 0 : i32
    %c0_i32_0 = arith.constant 0 : i32
    %c0_i32_1 = arith.constant 0 : i32
    return %c0_i32, %c0_i32_0 : i32, i32
  }
}

</mosaic_0001>

<sc_bundles>
// kernel: sparse-core-data-format-call.cloned.1.call-start
scs
called_computation_lowered:
.L_overlay_start_0:
0x0: {  	s2 =	sld [smem:$0x3FD9]  }
0x1: {  	s3 =	sld [smem:$0x3FFE];
	_ =	sdelay $0x1  }
0x2: {  	s1 =	srdreg.scid  }
0x3: {  	s0 =	sand.u32 $0x1, s1  }
0x4: {  	s18 =	sshll.u32 s0, $0xA;
	s2 =	sadd.s32 s3, s2  }
0x5: {  	s2 =	sadd.s32 s2, s18  }
0x6: {  	[smem:$0x3FC6] =	sst s2  }
0x7: {  	_ = 	snop  }
0x8: {  	s2 =	sld [smem:$0x3FC9];
	(tm) =	ssettm $0x1  }
0x9: {  	s19 =	sld [smem:$0x3FFB];
	_ =	sdelay $0x3  }
0xa: {  	_ =	strace s19  }
0xb: {  	s3 =	sld [smem:$0x3FFC];
	_ =	sdelay $0x3  }
0xc: {  	_ =	strace s3  }
0xd: {  	s3 =	sld [smem:$0x3FFD];
	_ =	sdelay $0x3  }
0xe: {  	_ =	strace s3  }
0xf: {  	_ =	strace $0x8FFFFFFF  }
0x10: {  	s20 =	sld [smem:$0x3FDB];
	_ =	sdelay $0x1  }
0x11: {  	s4 =	simm.s32 $_scs_section_size  }
0x12: {  	s5 =	simm.s32 $_size__tile_overlayer_lowered;
	s6 =	simm.s32 $_tile_overlayer_lowered  }
0x13: {  	s23 =	simm.s32 $0x1BFF;
	s22 =	sshll.u32 s6, $0x1;
	s3 =	sadd.s32 s4, s20  }
0x14: {  	s7 =	simm.s32 $0x0;
	s21 =	sshll.u32 s5, $0x1;
	s5 =	sadd.s32 s22, s3  }
0x15: {  	[timem:s7], [sflag:s23] =	dma.local [hbm:s5], s21  }
0x16: {  	_ =	swait.ge [sflag:s23], s21  }
0x17: {  	s4 =	ssub.s32 $0x0, s21;
	[sflag:s23] =	ssyncset.done $0x0  }
0x18: {  	[sflag:s23] =	ssyncadd.s32 s4;
	_ =	sdelay $0x1  }
0x19: {  	s24 =	simm.s32 $0x1B8B  }
0x1a: {  	_ =	swait.ge [sflag:s24], $0x1  }
0x1b: {  	[sflag:s24] =	ssyncset.done $0x0  }
0x1c: {  	s26 =	simm.s32 $0x1B8E;
	s25 =	sld [smem:$0x3FFE];
	[sflag:s24] =	ssyncadd.s32 $0xFFFFFFFF  }
0x1d: {  	s27 =	simm.s32 $execute0_lowered;
	[smem:$0x3FD2] =	sst s26  }
0x1e: {  	s5 =	sshll.u32 s27, $0x1;
	_ =	strace $0x80000046;
	[dreg:$0x1] =	wrdreg $0xFFFFFFFF  }
0x1f: {  	s28 =	simm.s32 $_size_execute0_lowered;
	s3 =	sadd.s32 s3, s5;
	[dreg:$0x0] =	wrdreg $0x0  }
0x20: {  	s5 =	sshll.u32 s28, $0x1;
	[dreg:$0x2] =	wrdreg s3  }
0x21: {  	[dreg:$0x3] =	wrdreg s5  }
0x22: {  	[dreg:$0x4] =	wrdreg $0xC0  }
0x23: {  	_ =	task [dreg:s7], $0x5FFFF  }
0x24: {  	[dreg:$0x1] =	wrdreg $0xFFFFFFFF  }
0x25: {  	[dreg:$0x0] =	wrdreg $0x60  }
0x26: {  	[dreg:$0x2] =	wrdreg s2  }
0x27: {  	[dreg:$0x3] =	wrdreg s25  }
0x28: {  	[dreg:$0x4] =	wrdreg $0x9  }
0x29: {  	_ =	task.clear_ibuf [dreg:s7], $0x5FFFF;
	_ =	strace $0x90000046  }
0x2a: {  	s29 =	simm.s32 $0x9;
	_ =	strace $0x80000048  }
0x2b: {  	_ =	swait.ge [sflag:s29], $0x1  }
0x2c: {  	[sflag:s29] =	ssyncadd.s32 $0xFFFFFFFF  }
0x2d: {  	_ =	strace $0x90000048  }
0x2e: {  	_ =	sfence  }
0x2f: {  	s30 =	sld [smem:$0x0];
	_ =	sdelay $0x2  }
0x30: {  	s31 =	sshll.u32 s1, $0xD;
	s1 =	sshrl.u32 s1, $0x2  }
0x31: {  	s3 =	sand.u32 $0x4000, s31;
	s1 =	sadd.s32 s1, s30  }
0x32: {  	s0 =	sor.u32 s3, s0;
	s1 =	sshll.u32 s1, $0x11  }
0x33: {  	s0 =	sor.u32 s1, s0  }
0x34: {  	s0 =	sadd.s32 $0x8F2B, s0  }
0x35: {  	[sflag:s0] =	ssyncadd.remote.s32 $0x1  }
0x36: {  	_ =	sfence.sel $0xFFFF  }
0x37: {  	[dreg:$0x0] =	wrdreg $0xFFFFFFFF;
	(pc) =	sbr.abs _section_cstart, $3  }
0x38: {  	[dreg:$0x1] =	wrdreg $0xFFFFFFFF  }
0x39: {  	_ =	task.clear_ibuf [dreg:s7], $0x2FFFF;
	_ =	strace $0x9FFFFFFF  }
0x3a: {  	(tm) =	ssettm $0x7FFFFFFF  }
0x3b: {  	_ =	shalt  }
tec
execute0_lowered:
.L_overlay_start_1:
0x0: {  	(tag) =	ssettag $0x1  }
0x1: {  	s2 =	rddreg [dreg:$0x0]  }
0x2: {  	s4 =	rddreg [dreg:$0x1]  }
0x3: {  	s0 =	rddreg [dreg:$0x2];
	_ =	strace $0x80000047  }
0x4: {  	s3 =	srdreg.scid;
	s1 =	stileid.u32;
	s6 =	simm.s32 $0x2  }
0x5: {  	s13 =	simm.s32 $0x0;
	p0 =	por $0x0, $0x0;
	s7 =	simm.s32 $0x2000  }
.Ltmp0:
0x6: {  	s14 =	simm.s32 $0x0;
	s9 =	simm.s32 $0x0;
	(pc) =	sbr.rel .LBB1_1-.Ltmp0, $4  }
0x7: {  	s10 =	simm.s32 $0x0;
	s11 =	simm.s32 $0x0;
	s5 =	sshll.u32 s3, $0x4  }
0x8: {  	s8 =	simm.s32 $0x0;
	s3 =	simm.s32 $0x1;
	s5 =	sand.u32 $0x10, s5  }
0x9: {  	s4 =	sadd.s32 $0x400, s4;
	[sflag:s3] =	ssyncpa.u1 $0x0;
	s5 =	sor.u32 s1, s5  }
0xa: {  	[sflag:s6] =	ssyncpa.u1 $0x0;
	s6 =	simm.s32 $0x40;
	s12 =	smov.u32 s5  }
.LBB1_5:
0xb: {  	p1 =	slt.u32 s8, $0x2  }
0xc: {  	p2 =	sgt.s32 @!p1 s14, $0x1F  }
0xd: {  	s15 =	smov.u32 s14;
	s16 =	sshra.s32 @!p1 s14, $0x1F;
	p2 =	por !p2, p1  }
0xe: {  	s17 =	sshra.s32 @!p1 s13, $0x1F;
	s15 =	simm.s32 @p2 $0x1F;
	p2 =	sgt.s32 @!p1 s13, $0x3F  }
0xf: {  	s14 =	sand.u32 @!p1 s16, s14;
	s16 =	smov.u32 s13;
	p2 =	por !p2, p1  }
0x10: {  	s13 =	sand.u32 @!p1 s17, s13;
	s14 =	ssub.s32 @!p1 s15, s14;
	s16 =	simm.s32 @p2 $0x3F  }
0x11: {  	s17 =	smov.u32 s12;
	s15 =	sadd.s32 @!p1 $0xFFFFFFE1, s14;
	s13 =	ssub.s32 @!p1 s16, s13  }
0x12: {  	s14 =	ssub.s32 @!p1 $0x20, s14;
	p2 =	sgt.s32 @!p1 s15, $0x0;
	s13 =	sadd.s32 @!p1 $0xFFFFFFC1, s13  }
0x13: {  	s14 =	smul.u32 @!p1 $0xFF, s14;
	p3 =	sgt.s32 @!p1 s13, $0x0;
	s13 =	sshll.u32 @!p1 s13, $0x6  }
0x14: {  	p2 =	por !p2, p1;
	s13 =	ssub.s32 @!p1 $0x40, s13;
	p3 =	por !p3, p1  }
0x15: {  	s15 =	sadd.s32 $0x1, s11;
	s14 =	simm.s32 @!p2 $0x0;
	s13 =	simm.s32 @!p3 $0x0  }
0x16: {  	p2 =	sgt.s32 s15, $0x3F;
	s13 =	smul.u32 @!p1 s14, s13;
	s14 =	sadd.s32 $0x20, s12  }
0x17: {  	s17 =	smov.u32 @p2 s14  }
0x18: {  	s8 =	sadd.s32 $0x1, s8;
	s15 =	simm.s32 @p2 $0x0;
	p2 =	sgt.s32 s17, $0x1F  }
0x19: {  	s17 =	smov.u32 @p2 s5;
	p2 =	sne.s32 s8, $0x42  }
.Ltmp1:
0x1a: {  	p0 =	por !p0, !p0;
	(pc) =	sbr.rel @!p2 .LBB1_6-.Ltmp1, $4  }
0x1b: {  	s16 =	simm.s32 @!p1 $0x2;
	s14 =	smov.u32 s10;
	s13 =	sand.u32 @!p1 $0x3FFFFFC0, s13  }
0x1c: {  	s10 =	smov.u32 s12;
	_ =	swait.ge @!p1 [sflag:s16], s13;
	s18 =	ssub.s32 @!p1 $0x0, s13  }
0x1d: {  	s13 =	smov.u32 s9;
	s9 =	smov.u32 s11;
	[sflag:s16] =	ssyncset.done @!p1 $0x0  }
0x1e: {  	s11 =	smov.u32 s15;
	s12 =	smov.u32 s17;
	[sflag:s16] =	ssyncadd.s32 @!p1 s18  }
.LBB1_1:
0x1f: {  	p1 =	sgt.u32 s8, $0x3F  }
0x20: {  	s15 =	sxor.u32 @!p1 $0xFFFFFFFF, s8;
	s16 =	sshll.u32 @!p1 s12, $0x11  }
0x21: {  	s17 =	sshll.u32 @!p1 s11, $0xB;
	s15 =	sshll.u32 @!p1 s15, $0xE;
	s16 =	sadd.s32 @!p1 s2, s16  }
0x22: {  	s15 =	sand.u32 @!p1 $0x4000, s15;
	s16 =	sadd.s32 @!p1 s17, s16;
	s17 =	simm.s32 @!p1 $0x0  }
0x23: {  	[tilespmem:s15], [sflag:$0x1] =	stream.linear.gather @!p1 [hbm4b:s16+s17], $0x4000, $0x38;
	[tilespmem:$0x10200] =	vst v63  }
0x24: {  	p1 =	seq.s32 s8, $0x0  }
0x25: {  	p2 =	seq.s32 @!p1 s8, $0x41  }
0x26: {  	p1 =	por p1, p2  }
.Ltmp2:
0x27: {  	_ = 	snop;
	(pc) =	sbr.rel @p1 .LBB1_5-.Ltmp2, $1  }
0x28: {  	_ =	sdelay $0x3  }
0x29: {  	s18 =	simm.s32 $0x0  }
0x2a: {  	s17 =	sand.u32 $0x3800, s18;
	s19 =	sand.u32 $0x380, s18  }
0x2b: {  	s15 =	sand.u32 $0x1, s8;
	s17 =	sor.u32 s19, s17  }
0x2c: {  	_ =	swait.ge [sflag:s3], $0x4000;
	s16 =	sshll.u32 s15, $0xE;
	s19 =	sand.u32 $0x3B00, s17  }
0x2d: {  	[sflag:s3] =	ssyncset.done $0x0;
	s18 =	sand.u32 $0x80, s18;
	s19 =	sadd.s32 s19, s16  }
0x2e: {  	[sflag:s3] =	ssyncadd.s32 $0xFFFFC000;
	s21 =	sadd.s32 s18, s19  }
0x2f: {  	v4 =	vld [tilespmem:s21+$0x400]  }
0x30: {  	s20 =	simm.s32 $0x1;
	v5 =	vld [tilespmem:s21+$0x0]  }
0x31: {  	s20 =	simm.s32 @!p0 $0x0;
	v6 =	vld [tilespmem:s21+$0x10]  }
0x32: {  	v0 =	vmov s16;
	s31 =	smul.u32 $0x10400, s20;
	v7 =	vld [tilespmem:s21+$0x20]  }
0x33: {  	v9 =	vld [tilespmem:s21+$0x30]  }
0x34: {  	s18 =	sshrl.u32 s31, $0x2;
	v10 =	vld [tilespmem:s21+$0x40]  }
0x35: {  	s18 =	sor.u32 $0x8000, s18;
	v11 =	vld [tilespmem:s21+$0x50]  }
0x36: {  	v8 =	vld [tilespmem:s21+$0x60];
	s19 =	sadd.s32 $0x0, s18  }
0x37: {  	v1 =	vld.idx.msk [tilespmem:v0+s17+$0x410 ss:$0x1], $0xffff;
	[tilespmem:s19+$0x2080 ss:$0x41] =	vst.msk $0xffff, v4  }
0x38: {  	v2 =	vld.idx.msk [tilespmem:v0+s17+$0x420 ss:$0x1], $0xffff;
	[tilespmem:s19+$0x0 ss:$0x41] =	vst.msk $0xffff, v5  }
0x39: {  	v3 =	vld.idx.msk [tilespmem:v0+s17+$0x430 ss:$0x1], $0xffff;
	[tilespmem:s19+$0x410 ss:$0x41] =	vst.msk $0xffff, v6  }
0x3a: {  	s15 =	smul.u32 $0x10400, s15;
	[tilespmem:s19+$0x820 ss:$0x41] =	vst.msk $0xffff, v7;
	v7 =	vld [tilespmem:s21+$0x70]  }
0x3b: {  	s22 =	simm.s32 $0x100;
	s23 =	simm.s32 $0x8;
	[tilespmem:s19+$0xC30 ss:$0x41] =	vst.msk $0xffff, v9;
	v4 =	vld.idx.msk [tilespmem:v0+s17+$0x440 ss:$0x1], $0xffff  }
0x3c: {  	s24 =	sand.u32 $0x3800, s22;
	s15 =	sshrl.u32 s15, $0x2;
	[tilespmem:s19+$0x1040 ss:$0x41] =	vst.msk $0xffff, v10;
	v5 =	vld.idx.msk [tilespmem:v0+s17+$0x450 ss:$0x1], $0xffff;
	s21 =	simm.s32 $0x80  }
0x3d: {  	s20 =	simm.s32 $0x4;
	s15 =	sor.u32 $0x8000, s15;
	[tilespmem:s19+$0x1450 ss:$0x41] =	vst.msk $0xffff, v11;
	v6 =	vld.idx.msk [tilespmem:v0+s17+$0x460 ss:$0x1], $0xffff;
	s25 =	sand.u32 $0x380, s21  }
.LBB1_3:
0x3e: {  	p1 =	sne.s32 s23, $0xFC;
	[tilespmem:s19+$0x1860 ss:$0x41] =	vst.msk $0xffff, v8;
	v8 =	vld.idx.msk [tilespmem:v0+s17+$0x470 ss:$0x1], $0xffff;
	s17 =	sor.u32 s25, s24  }
0x3f: {  	s24 =	sand.u32 $0x3B00, s17;
	v9 =	vld.idx.msk [tilespmem:v0+s17+$0x410 ss:$0x1], $0xffff;
	[tilespmem:s19+$0x1C70 ss:$0x41] =	vst.msk $0xffff, v7  }
0x40: {  	s25 =	sand.u32 $0x80, s21;
	s24 =	sadd.s32 s24, s16;
	v7 =	vld.idx.msk [tilespmem:v0+s17+$0x420 ss:$0x1], $0xffff;
	[tilespmem:s19+$0x2490 ss:$0x41] =	vst.msk $0xffff, v1  }
0x41: {  	s24 =	sadd.s32 s25, s24;
	v10 =	vld.idx.msk [tilespmem:v0+s17+$0x430 ss:$0x1], $0xffff;
	[tilespmem:s19+$0x28A0 ss:$0x41] =	vst.msk $0xffff, v2  }
0x42: {  	v11 =	vld [tilespmem:s24+$0x400];
	[tilespmem:s19+$0x2CB0 ss:$0x41] =	vst.msk $0xffff, v3  }
0x43: {  	v12 =	vld [tilespmem:s24+$0x0];
	[tilespmem:s19+$0x30C0 ss:$0x41] =	vst.msk $0xffff, v4  }
0x44: {  	v4 =	vld [tilespmem:s24+$0x10];
	[tilespmem:s19+$0x34D0 ss:$0x41] =	vst.msk $0xffff, v5  }
0x45: {  	s25 =	sshra.s32 s20, $0x2;
	s20 =	smov.u32 s23;
	v1 =	vmov v9;
	v5 =	vld [tilespmem:s24+$0x20];
	[tilespmem:s19+$0x38E0 ss:$0x41] =	vst.msk $0xffff, v6  }
0x46: {  	v2 =	vmov v7;
	v6 =	vld [tilespmem:s24+$0x30];
	[tilespmem:s19+$0x3CF0 ss:$0x41] =	vst.msk $0xffff, v8;
	s19 =	sadd.s32 s25, s18  }
0x47: {  	v3 =	vmov v10;
	v9 =	vld [tilespmem:s24+$0x40];
	[tilespmem:s19+$0x2080 ss:$0x41] =	vst.msk $0xffff, v11  }
0x48: {  	[tilespmem:s19+$0x0 ss:$0x41] =	vst.msk $0xffff, v12;
	v10 =	vld [tilespmem:s24+$0x50]  }
.Ltmp3:
0x49: {  	[tilespmem:s19+$0x410 ss:$0x41] =	vst.msk $0xffff, v4;
	v8 =	vld [tilespmem:s24+$0x60];
	(pc) =	sbr.rel @p1 .LBB1_3-.Ltmp3, $4  }
0x4a: {  	[tilespmem:s19+$0x820 ss:$0x41] =	vst.msk $0xffff, v5;
	v7 =	vld [tilespmem:s24+$0x70]  }
0x4b: {  	[tilespmem:s19+$0xC30 ss:$0x41] =	vst.msk $0xffff, v6;
	v4 =	vld.idx.msk [tilespmem:v0+s17+$0x440 ss:$0x1], $0xffff  }
0x4c: {  	s21 =	sadd.s32 $0x80, s21;
	s22 =	sadd.s32 $0x100, s22;
	[tilespmem:s19+$0x1040 ss:$0x41] =	vst.msk $0xffff, v9;
	v5 =	vld.idx.msk [tilespmem:v0+s17+$0x450 ss:$0x1], $0xffff  }
0x4d: {  	s23 =	sadd.s32 $0x4, s23;
	s25 =	sand.u32 $0x380, s21;
	s24 =	sand.u32 $0x3800, s22;
	[tilespmem:s19+$0x1450 ss:$0x41] =	vst.msk $0xffff, v10;
	v6 =	vld.idx.msk [tilespmem:v0+s17+$0x460 ss:$0x1], $0xffff  }
0x4e: {  	_ =	sdelay $0x3  }
0x4f: {  	s22 =	sor.u32 s25, s24;
	v47 =	vld.idx.msk [tilespmem:v0+s17+$0x470 ss:$0x1], $0xffff  }
0x50: {  	v57 =	vld.idx.msk [tilespmem:v0+s22+$0x410 ss:$0x1], $0xffff  }
0x51: {  	[tilespmem:s19+$0x1860 ss:$0x41] =	vst.msk $0xffff, v8;
	v58 =	vld.idx.msk [tilespmem:v0+s22+$0x420 ss:$0x1], $0xffff  }
0x52: {  	[tilespmem:s19+$0x2490 ss:$0x41] =	vst.msk $0xffff, v1;
	v59 =	vld.idx.msk [tilespmem:v0+s22+$0x430 ss:$0x1], $0xffff  }
0x53: {  	[tilespmem:s19+$0x28A0 ss:$0x41] =	vst.msk $0xffff, v2;
	v60 =	vld.idx.msk [tilespmem:v0+s22+$0x440 ss:$0x1], $0xffff  }
0x54: {  	[tilespmem:s19+$0x2CB0 ss:$0x41] =	vst.msk $0xffff, v3;
	s23 =	sand.u32 $0x3B00, s22;
	v61 =	vld.idx.msk [tilespmem:v0+s22+$0x450 ss:$0x1], $0xffff  }
0x55: {  	s21 =	sand.u32 $0x80, s21;
	[tilespmem:s19+$0x1C70 ss:$0x41] =	vst.msk $0xffff, v7;
	v62 =	vld.idx.msk [tilespmem:v0+s22+$0x460 ss:$0x1], $0xffff;
	s16 =	sadd.s32 s23, s16  }
0x56: {  	v63 =	vld.idx.msk [tilespmem:v0+s22+$0x470 ss:$0x1], $0xffff;
	[tilespmem:s19+$0x30C0 ss:$0x41] =	vst.msk $0xffff, v4;
	s16 =	sadd.s32 s21, s16  }
0x57: {  	[tilespmem:s19+$0x34D0 ss:$0x41] =	vst.msk $0xffff, v5;
	v48 =	vld [tilespmem:s16+$0x400]  }
0x58: {  	s23 =	sshra.s32 s20, $0x2;
	v49 =	vld [tilespmem:s16+$0x0];
	[tilespmem:s19+$0x38E0 ss:$0x41] =	vst.msk $0xffff, v6  }
0x59: {  	s17 =	sadd.s32 s23, s18;
	v50 =	vld [tilespmem:s16+$0x10];
	[tilespmem:s19+$0x3CF0 ss:$0x41] =	vst.msk $0xffff, v47  }
0x5a: {  	v51 =	vld [tilespmem:s16+$0x20];
	[tilespmem:s17+$0x2490 ss:$0x41] =	vst.msk $0xffff, v57  }
0x5b: {  	v52 =	vld [tilespmem:s16+$0x30];
	[tilespmem:s17+$0x28A0 ss:$0x41] =	vst.msk $0xffff, v58  }
0x5c: {  	v53 =	vld [tilespmem:s16+$0x40];
	[tilespmem:s17+$0x2CB0 ss:$0x41] =	vst.msk $0xffff, v59  }
0x5d: {  	v54 =	vld [tilespmem:s16+$0x50];
	[tilespmem:s17+$0x30C0 ss:$0x41] =	vst.msk $0xffff, v60  }
0x5e: {  	p1 =	sgt.s32 s10, $0x1F;
	s24 =	sshra.s32 s10, $0x1F;
	v55 =	vld [tilespmem:s16+$0x60];
	[tilespmem:s17+$0x34D0 ss:$0x41] =	vst.msk $0xffff, v61  }
0x5f: {  	s25 =	sshra.s32 s9, $0x1F;
	s18 =	sand.u32 s24, s10;
	v56 =	vld [tilespmem:s16+$0x70];
	s16 =	smov.u32 s10;
	[tilespmem:s17+$0x38E0 ss:$0x41] =	vst.msk $0xffff, v62  }
0x60: {  	s16 =	simm.s32 @!p1 $0x1F;
	p1 =	sgt.s32 s9, $0x3F;
	s19 =	smov.u32 s9;
	[tilespmem:s17+$0x3CF0 ss:$0x41] =	vst.msk $0xffff, v63  }
0x61: {  	s26 =	sand.u32 s25, s9;
	s16 =	ssub.s32 s16, s18;
	s19 =	simm.s32 @!p1 $0x3F;
	[tilespmem:s17+$0x2080 ss:$0x41] =	vst.msk $0xffff, v48  }
0x62: {  	s27 =	ssub.s32 $0x20, s16;
	s18 =	ssub.s32 s19, s26;
	[tilespmem:s17+$0x0 ss:$0x41] =	vst.msk $0xffff, v49  }
0x63: {  	s16 =	sadd.s32 $0xFFFFFFE1, s16;
	s19 =	smul.u32 $0xFF, s27;
	s18 =	sadd.s32 $0xFFFFFFC1, s18;
	[tilespmem:s17+$0x410 ss:$0x41] =	vst.msk $0xffff, v50  }
0x64: {  	s29 =	smul.u32 $0x3FC00, s10;
	p1 =	sgt.s32 s16, $0x0;
	[tilespmem:s17+$0x820 ss:$0x41] =	vst.msk $0xffff, v51;
	s28 =	sshll.u32 s18, $0x6  }
0x65: {  	[tilespmem:s17+$0xC30 ss:$0x41] =	vst.msk $0xffff, v52;
	s19 =	simm.s32 @p1 $0x0;
	p1 =	sgt.s32 s18, $0x0;
	s16 =	ssub.s32 $0x40, s28  }
.Ltmp4:
0x66: {  	[tilespmem:s17+$0x1040 ss:$0x41] =	vst.msk $0xffff, v53;
	s16 =	simm.s32 @p1 $0x0;
	(pc) =	sbr.rel .LBB1_5-.Ltmp4, $4  }
0x67: {  	s30 =	sshll.u32 s9, $0x4;
	[tilespmem:s17+$0x1450 ss:$0x41] =	vst.msk $0xffff, v54;
	s16 =	smul.u32 s19, s16  }
0x68: {  	[tilespmem:s17+$0x1860 ss:$0x41] =	vst.msk $0xffff, v55;
	s18 =	sadd.s32 s4, s29;
	s19 =	sand.u32 $0x3F0, s30  }
0x69: {  	[tilespmem:s17+$0x1C70 ss:$0x41] =	vst.msk $0xffff, v56;
	s31 =	sadd.s32 s19, s18;
	s16 =	sand.u32 $0x3FFFFFC0, s16  }
0x6a: {  	[hbm4b:s31+s6] =	stream.strided.scatter [tilespmem:s15], [sflag:$0x2], s16, s7, s6, $0x18;
	[tilespmem:$0x10200] =	vst v63  }
.LBB1_6:
0x6b: {  	_ =	sfence.sel $0x180000  }
0x6c: {  	s2 =	simm.s32 $0x1;
	[bflag:$0x0] =	sbarrier.arrive $0xFFFF  }
0x6d: {  	s31 =	simm.s32 $0x2;
	[sflag:s2] =	ssyncpa.u1 $0x1  }
0x6e: {  	[sflag:s31] =	ssyncpa.u1 $0x1  }
0x6f: {  	p0 =	sne.s32 s1, $0x0;
	_ =	strace $0x90000047  }
0x70: {  	s0 =	sadd.s32 @!p0 $0x100000, s0;
	[bflag:$0x2] =	sbarrier.arrive $0xFFFF  }
0x71: {  	[sflag:s0] =	ssyncadd.tile.s32 @!p0 $0x1;
	_ =	shalt  }
.Lfunc_end1:
_tile_overlayer_lowered:
.L_overlay_start_2:
0x72: {  	(tag) =	ssettag $0x2  }
0x73: {  	s0 =	rddreg [dreg:$0x0];
	s2 =	stileid.u32  }
0x74: {  	s1 =	rddreg [dreg:$0x1];
	p0 =	sne.s32 s2, $0x0  }
0x75: {  	s3 =	rddreg [dreg:$0x2];
	[bflag:$0x3] =	sbarrier.arrive $0xFFFF;
	s2 =	simm.s32 @!p0 $0x1C01  }
0x76: {  	[timem:s3], [sflag:s2] =	dma.local @!p0 [hbm:s0], s1  }
0x77: {  	s0 =	simm.s32 @!p0 $0x1  }
0x78: {  	_ =	swait.ge @!p0 [sflag:s0], s1  }
0x79: {  	s1 =	ssub.s32 @!p0 $0x0, s1;
	[sflag:s0] =	ssyncset.done @!p0 $0x0  }
0x7a: {  	[sflag:s0] =	ssyncadd.s32 @!p0 s1  }
0x7b: {  	[bflag:$0x3] =	sbarrier.arrive $0xFFFF  }
0x7c: {  	_ =	shalt  }

</sc_bundles>
